<compile_context>
chip_gen: v7x
topology: tpu7x:2x2x1
jax: 0.10.2.dev20260603
libtpu: 0.0.44.dev20260713+nightly
codegen_flags: <defaults>
</compile_context>

<pallas_src>
import functools

import jax
import jax.numpy as jnp
from jax import lax
from jax.experimental import pallas as pl
from jax.experimental.pallas import tpu as pltpu
from jax.experimental.pallas import tpu_sc as plsc

_B = 4
_N_VEC = 4096
_EMB = 64
_CV = 32
_NL = 4
_N_CLASS = 10
_TOK = _B * _N_VEC


def _sc_gather(idx, table):
    info = plsc.get_sparse_core_info()
    _NC, _NS = info.num_cores, info.num_subcores
    _PER_W = _TOK // (_NC * _NS)
    mesh = plsc.VectorSubcoreMesh(core_axis_name="c", subcore_axis_name="s")

    @functools.partial(
        pl.kernel,
        mesh=mesh,
        out_type=jax.ShapeDtypeStruct((_TOK, _EMB), jnp.float32),
        scratch_types=[
            pltpu.VMEM((_PER_W,), jnp.int32),
            pltpu.VMEM((_PER_W, _EMB), jnp.float32),
            pltpu.SemaphoreType.DMA,
        ],
        compiler_params=pltpu.CompilerParams(use_tc_tiling_on_sc=False),
    )
    def gather_kernel(idx_hbm, table_hbm, out_hbm, idx_v, rows_v, sem):
        wid = lax.axis_index("s") * _NC + lax.axis_index("c")
        base = wid * _PER_W
        pltpu.sync_copy(idx_hbm.at[pl.ds(base, _PER_W)], idx_v)
        pltpu.async_copy(table_hbm.at[idx_v], rows_v, sem).wait()
        pltpu.sync_copy(rows_v, out_hbm.at[pl.ds(base, _PER_W)])

    return gather_kernel(idx, table)


def _gelu(u):
    return 0.5 * u * (1.0 + lax.erf(u * 0.7071067811865476))


def _tc_body(x_ref, pos_ref,
             gw1_ref, gb1_ref, gw2_ref, gb2_ref,
             f0w1_ref, f0b1_ref, f0w2_ref, f0b2_ref,
             f1w1_ref, f1b1_ref, f1w2_ref, f1b2_ref,
             f2w1_ref, f2b1_ref, f2w2_ref, f2b2_ref,
             fkt_ref, fb_ref, out_ref):
    x = x_ref[:] + pos_ref[:]

    w1 = jnp.concatenate(
        [gw1_ref[:], f0w1_ref[:], f1w1_ref[:], f2w1_ref[:]], axis=1)
    b1 = jnp.concatenate(
        [gb1_ref[:], f0b1_ref[:], f1b1_ref[:], f2b1_ref[:]], axis=1)
    nw = _CV + 3 * _NL
    zpad = [jnp.zeros((_EMB, _CV), jnp.float32),
            jnp.zeros((_EMB, _NL), jnp.float32)]
    w2 = jnp.concatenate([
        jnp.concatenate([gw2_ref[:], zpad[1], zpad[1], zpad[1]], axis=1),
        jnp.concatenate([zpad[0], f0w2_ref[:], zpad[1], zpad[1]], axis=1),
        jnp.concatenate([zpad[0], zpad[1], f1w2_ref[:], zpad[1]], axis=1),
        jnp.concatenate([zpad[0], zpad[1], zpad[1], f2w2_ref[:]], axis=1),
    ], axis=0)
    b2 = jnp.concatenate(
        [gb2_ref[:], f0b2_ref[:], f1b2_ref[:], f2b2_ref[:]], axis=1)

    h = _gelu(jnp.dot(x, w1, preferred_element_type=jnp.float32) + b1)
    z = jnp.dot(h, w2, preferred_element_type=jnp.float32) + b2
    zt = z.T

    V = zt[:_CV]
    res = V
    for m in range(3):
        wm = zt[_CV + _NL * m:_CV + _NL * (m + 1)]
        acc = wm[0:1] * V
        for j, s in enumerate((1, 2, 4)):
            acc = acc + wm[j + 1:j + 2] * pltpu.roll(V, _N_VEC - s, 1)
        V = acc + res

    prows = [jnp.sum(V * fkt_ref[c], axis=1, keepdims=True)
             for c in range(_N_CLASS)]
    pcat = jnp.concatenate(prows, axis=1)
    out_ref[0] = (jnp.sum(pcat, axis=0, keepdims=True) + fb_ref[:])


def _tc_call_kwargs():
    full = lambda shape: pl.BlockSpec(shape, lambda b: (0,) * len(shape))
    mlp = [full((_EMB, _EMB)), full((1, _EMB)),
           full((_EMB, _CV)), full((1, _CV))]
    for _ in range(3):
        mlp += [full((_EMB, _EMB)), full((1, _EMB)),
                full((_EMB, _NL)), full((1, _NL))]
    in_specs = [
        pl.BlockSpec((_N_VEC, _EMB), lambda b: (b, 0)),
        full((_N_VEC, _EMB)),
        *mlp,
        full((_N_CLASS, _CV, _N_VEC)),
        full((1, _N_CLASS)),
    ]
    return dict(
        grid=(_B,),
        in_specs=in_specs,
        out_specs=pl.BlockSpec((1, 1, _N_CLASS), lambda b: (b, 0, 0)),
        out_shape=jax.ShapeDtypeStruct((_B, 1, _N_CLASS), jnp.float32),
    )


def kernel(data, emb_table, pos_table, f0_W1, f0_b1, f0_W2, f0_b2,
           f1_W1, f1_b1, f1_W2, f1_b2, f2_W1, f2_b1, f2_W2, f2_b2,
           g_W1, g_b1, g_W2, g_b2, final_W, final_b, rows, cols):
    fkt = final_W.reshape(_N_VEC, _CV, _N_CLASS).transpose(2, 1, 0)
    idx = data[..., 0].reshape(_TOK).astype(jnp.int32)
    x = _sc_gather(idx, emb_table)

    out = pl.pallas_call(_tc_body, **_tc_call_kwargs())(
        x, pos_table,
        g_W1, g_b1[None, :], g_W2, g_b2[None, :],
        f0_W1, f0_b1[None, :], f0_W2, f0_b2[None, :],
        f1_W1, f1_b1[None, :], f1_W2, f1_b2[None, :],
        f2_W1, f2_b1[None, :], f2_W2, f2_b2[None, :],
        fkt, final_b[None, :])
    return out.reshape(_B, _N_CLASS)

# --- scband reference (transcript-rebuilt; emitter-appended) ---
"""Pipeline reference for scband-psfnet-46213848105463 (READ-ONLY COPY).

The authoritative reference and input builder live on the scoring server;
editing this copy changes nothing except your own understanding.
"""

import jax, jax.numpy as jnp
import numpy as np

B = 4
N_VEC = 4096
EMB = 64
N_W = 3
N_LINKS = 4
CV = 32
N_CLASS = 10
VOCAB = 1000


def _chord(n_vec, n_link):
    rows = np.repeat(np.arange(n_vec), n_link).astype(np.int32)
    cols = np.empty(n_vec * n_link, dtype=np.int32)
    idx = 0
    for i in range(n_vec):
        cols[idx] = i
        idx += 1
        for k in range(n_link - 1):
            cols[idx] = (i + 2 ** k) % n_vec
            idx += 1
    return rows, cols


def setup_inputs(seed: int = 0):
    key = jax.random.key(seed)
    ks = jax.random.split(key, 16)
    inp = {}
    inp['data'] = jax.random.randint(ks[0], (B, N_VEC, 1), 0, VOCAB)
    inp['emb_table'] = jax.random.normal(ks[1], (VOCAB, EMB), dtype=jnp.float32) * 0.02
    inp['pos_table'] = jax.random.normal(ks[2], (N_VEC, EMB), dtype=jnp.float32) * 0.02
    j = 3
    for m in range(N_W):
        inp['f%d_W1' % m] = jax.random.normal(ks[j], (EMB, EMB), dtype=jnp.float32) / np.sqrt(EMB)
        inp['f%d_b1' % m] = jnp.zeros((EMB,), dtype=jnp.float32)
        j += 1
        inp['f%d_W2' % m] = jax.random.normal(ks[j], (EMB, N_LINKS), dtype=jnp.float32) / np.sqrt(EMB)
        inp['f%d_b2' % m] = jnp.zeros((N_LINKS,), dtype=jnp.float32)
        j += 1
    inp['g_W1'] = jax.random.normal(ks[j], (EMB, EMB), dtype=jnp.float32) / np.sqrt(EMB)
    j += 1
    inp['g_b1'] = jnp.zeros((EMB,), dtype=jnp.float32)
    inp['g_W2'] = jax.random.normal(ks[j], (EMB, CV), dtype=jnp.float32) / np.sqrt(EMB)
    j += 1
    inp['g_b2'] = jnp.zeros((CV,), dtype=jnp.float32)
    inp['final_W'] = jax.random.normal(ks[j], (N_VEC * CV, N_CLASS), dtype=jnp.float32) / np.sqrt(N_VEC * CV)
    j += 1
    inp['final_b'] = jnp.zeros((N_CLASS,), dtype=jnp.float32)
    rows, cols = _chord(N_VEC, N_LINKS)
    inp['rows'] = jnp.asarray(rows)
    inp['cols'] = jnp.asarray(cols)
    return inp


def _mlp(x, W1, b1, W2, b2):
    return jax.nn.gelu(x @ W1 + b1, approximate=False) @ W2 + b2


def reference(data, emb_table, pos_table, f0_W1, f0_b1, f0_W2, f0_b2, f1_W1, f1_b1, f1_W2, f1_b2, f2_W1, f2_b1, f2_W2, f2_b2, g_W1, g_b1, g_W2, g_b2, final_W, final_b, rows, cols):
    b = data.shape[0]
    n_vec = data.shape[1]
    # problem == 'order': embedding lookup then squeeze(-2)
    x = jnp.take(emb_table, data[..., 0], axis=0)
    # positional embedding (positions = arange(n_vec) broadcast over batch)
    x = x + pos_table[None, :, :]
    V = _mlp(x, g_W1, g_b1, g_W2, g_b2)
    res = V
    fparams = [(f0_W1, f0_b1, f0_W2, f0_b2), (f1_W1, f1_b1, f1_W2, f1_b2), (f2_W1, f2_b1, f2_W2, f2_b2)]
    for (W1, b1, W2, b2) in fparams:
        W = _mlp(x, W1, b1, W2, b2)
        vals = W.reshape(b, -1)
        # batched spmm over chord sparsity: gather by cols, weight, scatter-add by rows
        gathered = jnp.take(V, cols, axis=1) * vals[:, :, None]
        V = jax.vmap(lambda g: jax.ops.segment_sum(g, rows, num_segments=n_vec))(gathered)
        V = V + res
    out = V.reshape(b, -1) @ final_W + final_b
    return out

if __name__ == "__main__":
    import jax
    _d = setup_inputs()
    print(jax.jit(kernel)(*tuple(_d.values())))

</pallas_src>

<mosaic_0001>
#map = affine_map<(d0, d1) -> (0)>
#map1 = affine_map<(d0, d1) -> (0, 0)>
module attributes {stable_mosaic.version = 14 : i64} {
  func.func @gather_kernel(%arg0: i32, %arg1: i32, %arg2: memref<16384xi32, #tpu.memory_space<hbm>>, %arg3: memref<1000x64xf32, #tpu.memory_space<hbm>>, %arg4: memref<16384x64xf32, #tpu.memory_space<hbm>>, %arg5: memref<512xi32, #tpu.memory_space<vmem>>, %arg6: memref<512x64xf32, #tpu.memory_space<vmem>>, %arg7: memref<!tpu.dma_semaphore, #tpu.memory_space<semaphore_mem>>) attributes {dimension_semantics = [#tpu.dimension_semantics<core_parallel>, #tpu.dimension_semantics<subcore_parallel>], iteration_bounds = array<i64: 2, 16>, scalar_prefetch = 0 : i64, scratch_operands = 3 : i64, tpu.core_type = #tpu.core_type<sc_vector_subcore>, window_params = [{transform_indices = #map}, {transform_indices = #map1}, {transform_indices = #map1}]} {
    %mul3A = arith.constant 2 : i32
    %mul3A_0 = arith.muli %arg1, %mul3A : i32
    %add3A = arith.addi %mul3A_0, %arg0 : i32
    %mul3A_1 = arith.constant 512 : i32
    %mul3A_2 = arith.muli %add3A, %mul3A_1 : i32
    "tpu.region"() ({
      %run_scoped3A = tpu.sem_alloc : memref<!tpu.dma_semaphore, #tpu.memory_space<semaphore_mem>>
      %dma_start3A_7 = tpu.memref_slice %arg2[%mul3A_2] : memref<16384xi32, #tpu.memory_space<hbm>> -> memref<512xi32, #tpu.memory_space<hbm>>
      %dma_start3A_8 = tpu.memref_slice %arg2[%mul3A_2] : memref<16384xi32, #tpu.memory_space<hbm>> -> memref<512xi32, #tpu.memory_space<hbm>>
      tpu.enqueue_dma source(%dma_start3A_8 : memref<512xi32, #tpu.memory_space<hbm>>) target(%arg5 : memref<512xi32, #tpu.memory_space<vmem>>) target_semaphore(%run_scoped3A : memref<!tpu.dma_semaphore, #tpu.memory_space<semaphore_mem>>)
      %dma_wait3A_9 = tpu.memref_slice %arg2[%mul3A_2] : memref<16384xi32, #tpu.memory_space<hbm>> -> memref<512xi32, #tpu.memory_space<hbm>>
      %dma_wait3A_10 = tpu.memref_slice %arg2[%mul3A_2] : memref<16384xi32, #tpu.memory_space<hbm>> -> memref<512xi32, #tpu.memory_space<hbm>>
      tpu.wait_dma2 semaphore(%run_scoped3A : memref<!tpu.dma_semaphore, #tpu.memory_space<semaphore_mem>>) src(%dma_wait3A_10 : memref<512xi32, #tpu.memory_space<hbm>>) dst(%arg5 : memref<512xi32, #tpu.memory_space<vmem>>)
      tpu.yield
    }) : () -> ()
    %dma_start3A = arith.constant 0 : i32
    %dma_start3A_3 = arith.constant 0 : i32
    %dma_start3A_4 = tpu.memref_slice %arg3[%dma_start3A, %dma_start3A_3] : memref<1000x64xf32, #tpu.memory_space<hbm>> -> memref<1000x64xf32, #tpu.memory_space<hbm>>
    tpu.enqueue_indirect_dma source(%dma_start3A_4 : memref<1000x64xf32, #tpu.memory_space<hbm>>) target(%arg6 : memref<512x64xf32, #tpu.memory_space<vmem>>) offsets(%arg5 : memref<512xi32, #tpu.memory_space<vmem>>) semaphore(%arg7 : memref<!tpu.dma_semaphore, #tpu.memory_space<semaphore_mem>>)
    %dma_wait3A = arith.constant 0 : i32
    %dma_wait3A_5 = arith.constant 0 : i32
    %dma_wait3A_6 = tpu.memref_slice %arg3[%dma_wait3A, %dma_wait3A_5] : memref<1000x64xf32, #tpu.memory_space<hbm>> -> memref<1000x64xf32, #tpu.memory_space<hbm>>
    tpu.wait_indirect_dma semaphore(%arg7 : memref<!tpu.dma_semaphore, #tpu.memory_space<semaphore_mem>>) src(%dma_wait3A_6 : memref<1000x64xf32, #tpu.memory_space<hbm>>) dst(%arg6 : memref<512x64xf32, #tpu.memory_space<vmem>>)
    "tpu.region"() ({
      %run_scoped3A = tpu.sem_alloc : memref<!tpu.dma_semaphore, #tpu.memory_space<semaphore_mem>>
      %dma_start3A_7 = arith.constant 0 : i32
      %dma_start3A_8 = tpu.memref_slice %arg4[%mul3A_2, %dma_start3A_7] : memref<16384x64xf32, #tpu.memory_space<hbm>> -> memref<512x64xf32, #tpu.memory_space<hbm>>
      %dma_start3A_9 = arith.constant 0 : i32
      %dma_start3A_10 = tpu.memref_slice %arg4[%mul3A_2, %dma_start3A_9] : memref<16384x64xf32, #tpu.memory_space<hbm>> -> memref<512x64xf32, #tpu.memory_space<hbm>>
      tpu.enqueue_dma source(%arg6 : memref<512x64xf32, #tpu.memory_space<vmem>>) target(%dma_start3A_10 : memref<512x64xf32, #tpu.memory_space<hbm>>) target_semaphore(%run_scoped3A : memref<!tpu.dma_semaphore, #tpu.memory_space<semaphore_mem>>)
      %dma_wait3A_11 = arith.constant 0 : i32
      %dma_wait3A_12 = tpu.memref_slice %arg4[%mul3A_2, %dma_wait3A_11] : memref<16384x64xf32, #tpu.memory_space<hbm>> -> memref<512x64xf32, #tpu.memory_space<hbm>>
      %dma_wait3A_13 = arith.constant 0 : i32
      %dma_wait3A_14 = tpu.memref_slice %arg4[%mul3A_2, %dma_wait3A_13] : memref<16384x64xf32, #tpu.memory_space<hbm>> -> memref<512x64xf32, #tpu.memory_space<hbm>>
      tpu.wait_dma2 semaphore(%run_scoped3A : memref<!tpu.dma_semaphore, #tpu.memory_space<semaphore_mem>>) src(%arg6 : memref<512x64xf32, #tpu.memory_space<vmem>>) dst(%dma_wait3A_14 : memref<512x64xf32, #tpu.memory_space<hbm>>)
      tpu.yield
    }) : () -> ()
    return
  }
}

module attributes {stable_mosaic.version = 14 : i64} {
  func.func @_tc_body(%arg0: i32, %arg1: memref<4096x64xf32, #tpu.memory_space<vmem>>, %arg2: memref<4096x64xf32, #tpu.memory_space<vmem>>, %arg3: memref<64x64xf32, #tpu.memory_space<vmem>>, %arg4: memref<1x64xf32, #tpu.memory_space<vmem>>, %arg5: memref<64x32xf32, #tpu.memory_space<vmem>>, %arg6: memref<1x32xf32, #tpu.memory_space<vmem>>, %arg7: memref<64x64xf32, #tpu.memory_space<vmem>>, %arg8: memref<1x64xf32, #tpu.memory_space<vmem>>, %arg9: memref<64x4xf32, #tpu.memory_space<vmem>>, %arg10: memref<1x4xf32, #tpu.memory_space<vmem>>, %arg11: memref<64x64xf32, #tpu.memory_space<vmem>>, %arg12: memref<1x64xf32, #tpu.memory_space<vmem>>, %arg13: memref<64x4xf32, #tpu.memory_space<vmem>>, %arg14: memref<1x4xf32, #tpu.memory_space<vmem>>, %arg15: memref<64x64xf32, #tpu.memory_space<vmem>>, %arg16: memref<1x64xf32, #tpu.memory_space<vmem>>, %arg17: memref<64x4xf32, #tpu.memory_space<vmem>>, %arg18: memref<1x4xf32, #tpu.memory_space<vmem>>, %arg19: memref<10x32x4096xf32, #tpu.memory_space<vmem>>, %arg20: memref<1x10xf32, #tpu.memory_space<vmem>>, %arg21: memref<1x1x10xf32, #tpu.memory_space<vmem>>) attributes {dimension_semantics = [#tpu.dimension_semantics<arbitrary>], iteration_bounds = array<i64: 4>, scalar_prefetch = 0 : i64, scratch_operands = 0 : i64, tpu.core_type = #tpu.core_type<tc>, window_params = [{transform_indices = @transform_0, window_bounds = array<i64: 4096, 64>}, {pipeline_mode = #tpu.pipeline_mode<synchronous>, transform_indices = @transform_1, window_bounds = array<i64: 4096, 64>}, {pipeline_mode = #tpu.pipeline_mode<synchronous>, transform_indices = @transform_2, window_bounds = array<i64: 64, 64>}, {pipeline_mode = #tpu.pipeline_mode<synchronous>, transform_indices = @transform_3, window_bounds = array<i64: 1, 64>}, {pipeline_mode = #tpu.pipeline_mode<synchronous>, transform_indices = @transform_4, window_bounds = array<i64: 64, 32>}, {pipeline_mode = #tpu.pipeline_mode<synchronous>, transform_indices = @transform_5, window_bounds = array<i64: 1, 32>}, {pipeline_mode = #tpu.pipeline_mode<synchronous>, transform_indices = @transform_6, window_bounds = array<i64: 64, 64>}, {pipeline_mode = #tpu.pipeline_mode<synchronous>, transform_indices = @transform_7, window_bounds = array<i64: 1, 64>}, {pipeline_mode = #tpu.pipeline_mode<synchronous>, transform_indices = @transform_8, window_bounds = array<i64: 64, 4>}, {pipeline_mode = #tpu.pipeline_mode<synchronous>, transform_indices = @transform_9, window_bounds = array<i64: 1, 4>}, {pipeline_mode = #tpu.pipeline_mode<synchronous>, transform_indices = @transform_10, window_bounds = array<i64: 64, 64>}, {pipeline_mode = #tpu.pipeline_mode<synchronous>, transform_indices = @transform_11, window_bounds = array<i64: 1, 64>}, {pipeline_mode = #tpu.pipeline_mode<synchronous>, transform_indices = @transform_12, window_bounds = array<i64: 64, 4>}, {pipeline_mode = #tpu.pipeline_mode<synchronous>, transform_indices = @transform_13, window_bounds = array<i64: 1, 4>}, {pipeline_mode = #tpu.pipeline_mode<synchronous>, transform_indices = @transform_14, window_bounds = array<i64: 64, 64>}, {pipeline_mode = #tpu.pipeline_mode<synchronous>, transform_indices = @transform_15, window_bounds = array<i64: 1, 64>}, {pipeline_mode = #tpu.pipeline_mode<synchronous>, transform_indices = @transform_16, window_bounds = array<i64: 64, 4>}, {pipeline_mode = #tpu.pipeline_mode<synchronous>, transform_indices = @transform_17, window_bounds = array<i64: 1, 4>}, {pipeline_mode = #tpu.pipeline_mode<synchronous>, transform_indices = @transform_18, window_bounds = array<i64: 10, 32, 4096>}, {pipeline_mode = #tpu.pipeline_mode<synchronous>, transform_indices = @transform_19, window_bounds = array<i64: 1, 10>}, {transform_indices = @transform_20, window_bounds = array<i64: 1, 1, 10>}]} {
    %get3A = arith.constant 0 : index
    %get3A_0 = arith.constant 0 : index
    %get3A_1 = vector.load %arg1[%get3A, %get3A_0] : memref<4096x64xf32, #tpu.memory_space<vmem>>, vector<4096x64xf32>
    %get3A_2 = arith.constant 0 : index
    %get3A_3 = arith.constant 0 : index
    %get3A_4 = vector.load %arg2[%get3A_2, %get3A_3] : memref<4096x64xf32, #tpu.memory_space<vmem>>, vector<4096x64xf32>
    %add3A = arith.addf %get3A_1, %get3A_4 : vector<4096x64xf32>
    %get3A_5 = arith.constant 0 : index
    %get3A_6 = arith.constant 0 : index
    %get3A_7 = vector.load %arg3[%get3A_5, %get3A_6] : memref<64x64xf32, #tpu.memory_space<vmem>>, vector<64x64xf32>
    %get3A_8 = arith.constant 0 : index
    %get3A_9 = arith.constant 0 : index
    %get3A_10 = vector.load %arg7[%get3A_8, %get3A_9] : memref<64x64xf32, #tpu.memory_space<vmem>>, vector<64x64xf32>
    %get3A_11 = arith.constant 0 : index
    %get3A_12 = arith.constant 0 : index
    %get3A_13 = vector.load %arg11[%get3A_11, %get3A_12] : memref<64x64xf32, #tpu.memory_space<vmem>>, vector<64x64xf32>
    %get3A_14 = arith.constant 0 : index
    %get3A_15 = arith.constant 0 : index
    %get3A_16 = vector.load %arg15[%get3A_14, %get3A_15] : memref<64x64xf32, #tpu.memory_space<vmem>>, vector<64x64xf32>
    %concatenate3A = tpu.concatenate %get3A_7, %get3A_10, %get3A_13, %get3A_16 in 1 : vector<64x64xf32>, vector<64x64xf32>, vector<64x64xf32>, vector<64x64xf32> -> vector<64x256xf32>
    %get3A_17 = arith.constant 0 : index
    %get3A_18 = arith.constant 0 : index
    %get3A_19 = vector.load %arg4[%get3A_17, %get3A_18] : memref<1x64xf32, #tpu.memory_space<vmem>>, vector<1x64xf32>
    %get3A_20 = arith.constant 0 : index
    %get3A_21 = arith.constant 0 : index
    %get3A_22 = vector.load %arg8[%get3A_20, %get3A_21] : memref<1x64xf32, #tpu.memory_space<vmem>>, vector<1x64xf32>
    %get3A_23 = arith.constant 0 : index
    %get3A_24 = arith.constant 0 : index
    %get3A_25 = vector.load %arg12[%get3A_23, %get3A_24] : memref<1x64xf32, #tpu.memory_space<vmem>>, vector<1x64xf32>
    %get3A_26 = arith.constant 0 : index
    %get3A_27 = arith.constant 0 : index
    %get3A_28 = vector.load %arg16[%get3A_26, %get3A_27] : memref<1x64xf32, #tpu.memory_space<vmem>>, vector<1x64xf32>
    %concatenate3A_29 = tpu.concatenate %get3A_19, %get3A_22, %get3A_25, %get3A_28 in 1 : vector<1x64xf32>, vector<1x64xf32>, vector<1x64xf32>, vector<1x64xf32> -> vector<1x256xf32>
    %broadcast_in_dim3A = arith.constant 0.000000e+00 : f32
    %broadcast_in_dim3A_30 = vector.broadcast %broadcast_in_dim3A : f32 to vector<64x32xf32>
    %broadcast_in_dim3A_31 = arith.constant 0.000000e+00 : f32
    %broadcast_in_dim3A_32 = vector.broadcast %broadcast_in_dim3A_31 : f32 to vector<64x4xf32>
    %get3A_33 = arith.constant 0 : index
    %get3A_34 = arith.constant 0 : index
    %get3A_35 = vector.load %arg5[%get3A_33, %get3A_34] : memref<64x32xf32, #tpu.memory_space<vmem>>, vector<64x32xf32>
    %concatenate3A_36 = tpu.concatenate %get3A_35, %broadcast_in_dim3A_32, %broadcast_in_dim3A_32, %broadcast_in_dim3A_32 in 1 : vector<64x32xf32>, vector<64x4xf32>, vector<64x4xf32>, vector<64x4xf32> -> vector<64x44xf32>
    %get3A_37 = arith.constant 0 : index
    %get3A_38 = arith.constant 0 : index
    %get3A_39 = vector.load %arg9[%get3A_37, %get3A_38] : memref<64x4xf32, #tpu.memory_space<vmem>>, vector<64x4xf32>
    %concatenate3A_40 = tpu.concatenate %broadcast_in_dim3A_30, %get3A_39, %broadcast_in_dim3A_32, %broadcast_in_dim3A_32 in 1 : vector<64x32xf32>, vector<64x4xf32>, vector<64x4xf32>, vector<64x4xf32> -> vector<64x44xf32>
    %get3A_41 = arith.constant 0 : index
    %get3A_42 = arith.constant 0 : index
    %get3A_43 = vector.load %arg13[%get3A_41, %get3A_42] : memref<64x4xf32, #tpu.memory_space<vmem>>, vector<64x4xf32>
    %concatenate3A_44 = tpu.concatenate %broadcast_in_dim3A_30, %broadcast_in_dim3A_32, %get3A_43, %broadcast_in_dim3A_32 in 1 : vector<64x32xf32>, vector<64x4xf32>, vector<64x4xf32>, vector<64x4xf32> -> vector<64x44xf32>
    %get3A_45 = arith.constant 0 : index
    %get3A_46 = arith.constant 0 : index
    %get3A_47 = vector.load %arg17[%get3A_45, %get3A_46] : memref<64x4xf32, #tpu.memory_space<vmem>>, vector<64x4xf32>
    %concatenate3A_48 = tpu.concatenate %broadcast_in_dim3A_30, %broadcast_in_dim3A_32, %broadcast_in_dim3A_32, %get3A_47 in 1 : vector<64x32xf32>, vector<64x4xf32>, vector<64x4xf32>, vector<64x4xf32> -> vector<64x44xf32>
    %concatenate3A_49 = tpu.concatenate %concatenate3A_36, %concatenate3A_40, %concatenate3A_44, %concatenate3A_48 in 0 : vector<64x44xf32>, vector<64x44xf32>, vector<64x44xf32>, vector<64x44xf32> -> vector<256x44xf32>
    %get3A_50 = arith.constant 0 : index
    %get3A_51 = arith.constant 0 : index
    %get3A_52 = vector.load %arg6[%get3A_50, %get3A_51] : memref<1x32xf32, #tpu.memory_space<vmem>>, vector<1x32xf32>
    %get3A_53 = arith.constant 0 : index
    %get3A_54 = arith.constant 0 : index
    %get3A_55 = vector.load %arg10[%get3A_53, %get3A_54] : memref<1x4xf32, #tpu.memory_space<vmem>>, vector<1x4xf32>
    %get3A_56 = arith.constant 0 : index
    %get3A_57 = arith.constant 0 : index
    %get3A_58 = vector.load %arg14[%get3A_56, %get3A_57] : memref<1x4xf32, #tpu.memory_space<vmem>>, vector<1x4xf32>
    %get3A_59 = arith.constant 0 : index
    %get3A_60 = arith.constant 0 : index
    %get3A_61 = vector.load %arg18[%get3A_59, %get3A_60] : memref<1x4xf32, #tpu.memory_space<vmem>>, vector<1x4xf32>
    %concatenate3A_62 = tpu.concatenate %get3A_52, %get3A_55, %get3A_58, %get3A_61 in 1 : vector<1x32xf32>, vector<1x4xf32>, vector<1x4xf32>, vector<1x4xf32> -> vector<1x44xf32>
    %dot_general3A = arith.constant dense<0.000000e+00> : vector<4096x256xf32>
    %dot_general3A_63 = tpu.matmul %add3A, %concatenate3A, %dot_general3A {dimension_numbers = #tpu.dot_dimension_numbers<[1], [0], [0], [1], [0, 0, 1, 1], [], []>, transpose_lhs_hint = false} : vector<4096x64xf32>, vector<64x256xf32>, vector<4096x256xf32> -> vector<4096x256xf32>
    %add3A_64 = vector.broadcast %concatenate3A_29 : vector<1x256xf32> to vector<4096x256xf32>
    %add3A_65 = arith.addf %dot_general3A_63, %add3A_64 : vector<4096x256xf32>
    %mul3A = arith.constant 5.000000e-01 : f32
    %mul3A_66 = vector.broadcast %mul3A : f32 to vector<4096x256xf32>
    %mul3A_67 = arith.mulf %mul3A_66, %add3A_65 : vector<4096x256xf32>
    %mul3A_68 = arith.constant 0.707106769 : f32
    %mul3A_69 = vector.broadcast %mul3A_68 : f32 to vector<4096x256xf32>
    %mul3A_70 = arith.mulf %add3A_65, %mul3A_69 : vector<4096x256xf32>
    %erf3A = math.erf %mul3A_70 : vector<4096x256xf32>
    %add3A_71 = arith.constant 1.000000e+00 : f32
    %add3A_72 = vector.broadcast %add3A_71 : f32 to vector<4096x256xf32>
    %add3A_73 = arith.addf %add3A_72, %erf3A : vector<4096x256xf32>
    %mul3A_74 = arith.mulf %mul3A_67, %add3A_73 : vector<4096x256xf32>
    %dot_general3A_75 = arith.constant dense<0.000000e+00> : vector<4096x44xf32>
    %dot_general3A_76 = tpu.matmul %mul3A_74, %concatenate3A_49, %dot_general3A_75 {dimension_numbers = #tpu.dot_dimension_numbers<[1], [0], [0], [1], [0, 0, 1, 1], [], []>, transpose_lhs_hint = false} : vector<4096x256xf32>, vector<256x44xf32>, vector<4096x44xf32> -> vector<4096x44xf32>
    %add3A_77 = vector.broadcast %concatenate3A_62 : vector<1x44xf32> to vector<4096x44xf32>
    %add3A_78 = arith.addf %dot_general3A_76, %add3A_77 : vector<4096x44xf32>
    %transpose3A = tpu.transpose %add3A_78, [1, 0] : vector<4096x44xf32> -> vector<44x4096xf32>
    %slice3A = vector.extract_strided_slice %transpose3A {offsets = [0, 0], sizes = [32, 4096], strides = [1, 1]} : vector<44x4096xf32> to vector<32x4096xf32>
    %slice3A_79 = vector.extract_strided_slice %transpose3A {offsets = [32, 0], sizes = [4, 4096], strides = [1, 1]} : vector<44x4096xf32> to vector<4x4096xf32>
    %slice3A_80 = vector.extract_strided_slice %slice3A_79 {offsets = [0, 0], sizes = [1, 4096], strides = [1, 1]} : vector<4x4096xf32> to vector<1x4096xf32>
    %mul3A_81 = vector.broadcast %slice3A_80 : vector<1x4096xf32> to vector<32x4096xf32>
    %mul3A_82 = arith.mulf %mul3A_81, %slice3A : vector<32x4096xf32>
    %slice3A_83 = vector.extract_strided_slice %slice3A_79 {offsets = [1, 0], sizes = [1, 4096], strides = [1, 1]} : vector<4x4096xf32> to vector<1x4096xf32>
    %roll3A = arith.constant 4095 : i32
    %roll3A_84 = tpu.dynamic_rotate %slice3A by %roll3A dim 1 : vector<32x4096xf32>, i32 -> vector<32x4096xf32>
    %mul3A_85 = vector.broadcast %slice3A_83 : vector<1x4096xf32> to vector<32x4096xf32>
    %mul3A_86 = arith.mulf %mul3A_85, %roll3A_84 : vector<32x4096xf32>
    %add3A_87 = arith.addf %mul3A_82, %mul3A_86 : vector<32x4096xf32>
    %slice3A_88 = vector.extract_strided_slice %slice3A_79 {offsets = [2, 0], sizes = [1, 4096], strides = [1, 1]} : vector<4x4096xf32> to vector<1x4096xf32>
    %roll3A_89 = arith.constant 4094 : i32
    %roll3A_90 = tpu.dynamic_rotate %slice3A by %roll3A_89 dim 1 : vector<32x4096xf32>, i32 -> vector<32x4096xf32>
    %mul3A_91 = vector.broadcast %slice3A_88 : vector<1x4096xf32> to vector<32x4096xf32>
    %mul3A_92 = arith.mulf %mul3A_91, %roll3A_90 : vector<32x4096xf32>
    %add3A_93 = arith.addf %add3A_87, %mul3A_92 : vector<32x4096xf32>
    %slice3A_94 = vector.extract_strided_slice %slice3A_79 {offsets = [3, 0], sizes = [1, 4096], strides = [1, 1]} : vector<4x4096xf32> to vector<1x4096xf32>
    %roll3A_95 = arith.constant 4092 : i32
    %roll3A_96 = tpu.dynamic_rotate %slice3A by %roll3A_95 dim 1 : vector<32x4096xf32>, i32 -> vector<32x4096xf32>
    %mul3A_97 = vector.broadcast %slice3A_94 : vector<1x4096xf32> to vector<32x4096xf32>
    %mul3A_98 = arith.mulf %mul3A_97, %roll3A_96 : vector<32x4096xf32>
    %add3A_99 = arith.addf %add3A_93, %mul3A_98 : vector<32x4096xf32>
    %add3A_100 = arith.addf %add3A_99, %slice3A : vector<32x4096xf32>
    %slice3A_101 = vector.extract_strided_slice %transpose3A {offsets = [36, 0], sizes = [4, 4096], strides = [1, 1]} : vector<44x4096xf32> to vector<4x4096xf32>
    %slice3A_102 = vector.extract_strided_slice %slice3A_101 {offsets = [0, 0], sizes = [1, 4096], strides = [1, 1]} : vector<4x4096xf32> to vector<1x4096xf32>
    %mul3A_103 = vector.broadcast %slice3A_102 : vector<1x4096xf32> to vector<32x4096xf32>
    %mul3A_104 = arith.mulf %mul3A_103, %add3A_100 : vector<32x4096xf32>
    %slice3A_105 = vector.extract_strided_slice %slice3A_101 {offsets = [1, 0], sizes = [1, 4096], strides = [1, 1]} : vector<4x4096xf32> to vector<1x4096xf32>
    %roll3A_106 = arith.constant 4095 : i32
    %roll3A_107 = tpu.dynamic_rotate %add3A_100 by %roll3A_106 dim 1 : vector<32x4096xf32>, i32 -> vector<32x4096xf32>
    %mul3A_108 = vector.broadcast %slice3A_105 : vector<1x4096xf32> to vector<32x4096xf32>
    %mul3A_109 = arith.mulf %mul3A_108, %roll3A_107 : vector<32x4096xf32>
    %add3A_110 = arith.addf %mul3A_104, %mul3A_109 : vector<32x4096xf32>
    %slice3A_111 = vector.extract_strided_slice %slice3A_101 {offsets = [2, 0], sizes = [1, 4096], strides = [1, 1]} : vector<4x4096xf32> to vector<1x4096xf32>
    %roll3A_112 = arith.constant 4094 : i32
    %roll3A_113 = tpu.dynamic_rotate %add3A_100 by %roll3A_112 dim 1 : vector<32x4096xf32>, i32 -> vector<32x4096xf32>
    %mul3A_114 = vector.broadcast %slice3A_111 : vector<1x4096xf32> to vector<32x4096xf32>
    %mul3A_115 = arith.mulf %mul3A_114, %roll3A_113 : vector<32x4096xf32>
    %add3A_116 = arith.addf %add3A_110, %mul3A_115 : vector<32x4096xf32>
    %slice3A_117 = vector.extract_strided_slice %slice3A_101 {offsets = [3, 0], sizes = [1, 4096], strides = [1, 1]} : vector<4x4096xf32> to vector<1x4096xf32>
    %roll3A_118 = arith.constant 4092 : i32
    %roll3A_119 = tpu.dynamic_rotate %add3A_100 by %roll3A_118 dim 1 : vector<32x4096xf32>, i32 -> vector<32x4096xf32>
    %mul3A_120 = vector.broadcast %slice3A_117 : vector<1x4096xf32> to vector<32x4096xf32>
    %mul3A_121 = arith.mulf %mul3A_120, %roll3A_119 : vector<32x4096xf32>
    %add3A_122 = arith.addf %add3A_116, %mul3A_121 : vector<32x4096xf32>
    %add3A_123 = arith.addf %add3A_122, %slice3A : vector<32x4096xf32>
    %slice3A_124 = vector.extract_strided_slice %transpose3A {offsets = [40, 0], sizes = [4, 4096], strides = [1, 1]} : vector<44x4096xf32> to vector<4x4096xf32>
    %slice3A_125 = vector.extract_strided_slice %slice3A_124 {offsets = [0, 0], sizes = [1, 4096], strides = [1, 1]} : vector<4x4096xf32> to vector<1x4096xf32>
    %mul3A_126 = vector.broadcast %slice3A_125 : vector<1x4096xf32> to vector<32x4096xf32>
    %mul3A_127 = arith.mulf %mul3A_126, %add3A_123 : vector<32x4096xf32>
    %slice3A_128 = vector.extract_strided_slice %slice3A_124 {offsets = [1, 0], sizes = [1, 4096], strides = [1, 1]} : vector<4x4096xf32> to vector<1x4096xf32>
    %roll3A_129 = arith.constant 4095 : i32
    %roll3A_130 = tpu.dynamic_rotate %add3A_123 by %roll3A_129 dim 1 : vector<32x4096xf32>, i32 -> vector<32x4096xf32>
    %mul3A_131 = vector.broadcast %slice3A_128 : vector<1x4096xf32> to vector<32x4096xf32>
    %mul3A_132 = arith.mulf %mul3A_131, %roll3A_130 : vector<32x4096xf32>
    %add3A_133 = arith.addf %mul3A_127, %mul3A_132 : vector<32x4096xf32>
    %slice3A_134 = vector.extract_strided_slice %slice3A_124 {offsets = [2, 0], sizes = [1, 4096], strides = [1, 1]} : vector<4x4096xf32> to vector<1x4096xf32>
    %roll3A_135 = arith.constant 4094 : i32
    %roll3A_136 = tpu.dynamic_rotate %add3A_123 by %roll3A_135 dim 1 : vector<32x4096xf32>, i32 -> vector<32x4096xf32>
    %mul3A_137 = vector.broadcast %slice3A_134 : vector<1x4096xf32> to vector<32x4096xf32>
    %mul3A_138 = arith.mulf %mul3A_137, %roll3A_136 : vector<32x4096xf32>
    %add3A_139 = arith.addf %add3A_133, %mul3A_138 : vector<32x4096xf32>
    %slice3A_140 = vector.extract_strided_slice %slice3A_124 {offsets = [3, 0], sizes = [1, 4096], strides = [1, 1]} : vector<4x4096xf32> to vector<1x4096xf32>
    %roll3A_141 = arith.constant 4092 : i32
    %roll3A_142 = tpu.dynamic_rotate %add3A_123 by %roll3A_141 dim 1 : vector<32x4096xf32>, i32 -> vector<32x4096xf32>
    %mul3A_143 = vector.broadcast %slice3A_140 : vector<1x4096xf32> to vector<32x4096xf32>
    %mul3A_144 = arith.mulf %mul3A_143, %roll3A_142 : vector<32x4096xf32>
    %add3A_145 = arith.addf %add3A_139, %mul3A_144 : vector<32x4096xf32>
    %add3A_146 = arith.addf %add3A_145, %slice3A : vector<32x4096xf32>
    %get3A_147 = arith.constant 0 : index
    %get3A_148 = arith.constant 0 : index
    %get3A_149 = arith.constant 0 : index
    %get3A_150 = vector.load %arg19[%get3A_147, %get3A_148, %get3A_149] : memref<10x32x4096xf32, #tpu.memory_space<vmem>>, vector<1x32x4096xf32>
    %get3A_151 = vector.shape_cast %get3A_150 : vector<1x32x4096xf32> to vector<32x4096xf32>
    %mul3A_152 = arith.mulf %add3A_146, %get3A_151 : vector<32x4096xf32>
    %reduce_sum3A = arith.constant dense<0.000000e+00> : vector<32xf32>
    %reduce_sum3A_153 = vector.multi_reduction <add>, %mul3A_152, %reduce_sum3A [1] : vector<32x4096xf32> to vector<32xf32>
    %broadcast_in_dim3A_154 = vector.shape_cast %reduce_sum3A_153 : vector<32xf32> to vector<32x1xf32>
    %get3A_155 = arith.constant 1 : index
    %get3A_156 = arith.constant 0 : index
    %get3A_157 = arith.constant 0 : index
    %get3A_158 = vector.load %arg19[%get3A_155, %get3A_156, %get3A_157] : memref<10x32x4096xf32, #tpu.memory_space<vmem>>, vector<1x32x4096xf32>
    %get3A_159 = vector.shape_cast %get3A_158 : vector<1x32x4096xf32> to vector<32x4096xf32>
    %mul3A_160 = arith.mulf %add3A_146, %get3A_159 : vector<32x4096xf32>
    %reduce_sum3A_161 = arith.constant dense<0.000000e+00> : vector<32xf32>
    %reduce_sum3A_162 = vector.multi_reduction <add>, %mul3A_160, %reduce_sum3A_161 [1] : vector<32x4096xf32> to vector<32xf32>
    %broadcast_in_dim3A_163 = vector.shape_cast %reduce_sum3A_162 : vector<32xf32> to vector<32x1xf32>
    %get3A_164 = arith.constant 2 : index
    %get3A_165 = arith.constant 0 : index
    %get3A_166 = arith.constant 0 : index
    %get3A_167 = vector.load %arg19[%get3A_164, %get3A_165, %get3A_166] : memref<10x32x4096xf32, #tpu.memory_space<vmem>>, vector<1x32x4096xf32>
    %get3A_168 = vector.shape_cast %get3A_167 : vector<1x32x4096xf32> to vector<32x4096xf32>
    %mul3A_169 = arith.mulf %add3A_146, %get3A_168 : vector<32x4096xf32>
    %reduce_sum3A_170 = arith.constant dense<0.000000e+00> : vector<32xf32>
    %reduce_sum3A_171 = vector.multi_reduction <add>, %mul3A_169, %reduce_sum3A_170 [1] : vector<32x4096xf32> to vector<32xf32>
    %broadcast_in_dim3A_172 = vector.shape_cast %reduce_sum3A_171 : vector<32xf32> to vector<32x1xf32>
    %get3A_173 = arith.constant 3 : index
    %get3A_174 = arith.constant 0 : index
    %get3A_175 = arith.constant 0 : index
    %get3A_176 = vector.load %arg19[%get3A_173, %get3A_174, %get3A_175] : memref<10x32x4096xf32, #tpu.memory_space<vmem>>, vector<1x32x4096xf32>
    %get3A_177 = vector.shape_cast %get3A_176 : vector<1x32x4096xf32> to vector<32x4096xf32>
    %mul3A_178 = arith.mulf %add3A_146, %get3A_177 : vector<32x4096xf32>
    %reduce_sum3A_179 = arith.constant dense<0.000000e+00> : vector<32xf32>
    %reduce_sum3A_180 = vector.multi_reduction <add>, %mul3A_178, %reduce_sum3A_179 [1] : vector<32x4096xf32> to vector<32xf32>
    %broadcast_in_dim3A_181 = vector.shape_cast %reduce_sum3A_180 : vector<32xf32> to vector<32x1xf32>
    %get3A_182 = arith.constant 4 : index
    %get3A_183 = arith.constant 0 : index
    %get3A_184 = arith.constant 0 : index
    %get3A_185 = vector.load %arg19[%get3A_182, %get3A_183, %get3A_184] : memref<10x32x4096xf32, #tpu.memory_space<vmem>>, vector<1x32x4096xf32>
    %get3A_186 = vector.shape_cast %get3A_185 : vector<1x32x4096xf32> to vector<32x4096xf32>
    %mul3A_187 = arith.mulf %add3A_146, %get3A_186 : vector<32x4096xf32>
    %reduce_sum3A_188 = arith.constant dense<0.000000e+00> : vector<32xf32>
    %reduce_sum3A_189 = vector.multi_reduction <add>, %mul3A_187, %reduce_sum3A_188 [1] : vector<32x4096xf32> to vector<32xf32>
    %broadcast_in_dim3A_190 = vector.shape_cast %reduce_sum3A_189 : vector<32xf32> to vector<32x1xf32>
    %get3A_191 = arith.constant 5 : index
    %get3A_192 = arith.constant 0 : index
    %get3A_193 = arith.constant 0 : index
    %get3A_194 = vector.load %arg19[%get3A_191, %get3A_192, %get3A_193] : memref<10x32x4096xf32, #tpu.memory_space<vmem>>, vector<1x32x4096xf32>
    %get3A_195 = vector.shape_cast %get3A_194 : vector<1x32x4096xf32> to vector<32x4096xf32>
    %mul3A_196 = arith.mulf %add3A_146, %get3A_195 : vector<32x4096xf32>
    %reduce_sum3A_197 = arith.constant dense<0.000000e+00> : vector<32xf32>
    %reduce_sum3A_198 = vector.multi_reduction <add>, %mul3A_196, %reduce_sum3A_197 [1] : vector<32x4096xf32> to vector<32xf32>
    %broadcast_in_dim3A_199 = vector.shape_cast %reduce_sum3A_198 : vector<32xf32> to vector<32x1xf32>
    %get3A_200 = arith.constant 6 : index
    %get3A_201 = arith.constant 0 : index
    %get3A_202 = arith.constant 0 : index
    %get3A_203 = vector.load %arg19[%get3A_200, %get3A_201, %get3A_202] : memref<10x32x4096xf32, #tpu.memory_space<vmem>>, vector<1x32x4096xf32>
    %get3A_204 = vector.shape_cast %get3A_203 : vector<1x32x4096xf32> to vector<32x4096xf32>
    %mul3A_205 = arith.mulf %add3A_146, %get3A_204 : vector<32x4096xf32>
    %reduce_sum3A_206 = arith.constant dense<0.000000e+00> : vector<32xf32>
    %reduce_sum3A_207 = vector.multi_reduction <add>, %mul3A_205, %reduce_sum3A_206 [1] : vector<32x4096xf32> to vector<32xf32>
    %broadcast_in_dim3A_208 = vector.shape_cast %reduce_sum3A_207 : vector<32xf32> to vector<32x1xf32>
    %get3A_209 = arith.constant 7 : index
    %get3A_210 = arith.constant 0 : index
    %get3A_211 = arith.constant 0 : index
    %get3A_212 = vector.load %arg19[%get3A_209, %get3A_210, %get3A_211] : memref<10x32x4096xf32, #tpu.memory_space<vmem>>, vector<1x32x4096xf32>
    %get3A_213 = vector.shape_cast %get3A_212 : vector<1x32x4096xf32> to vector<32x4096xf32>
    %mul3A_214 = arith.mulf %add3A_146, %get3A_213 : vector<32x4096xf32>
    %reduce_sum3A_215 = arith.constant dense<0.000000e+00> : vector<32xf32>
    %reduce_sum3A_216 = vector.multi_reduction <add>, %mul3A_214, %reduce_sum3A_215 [1] : vector<32x4096xf32> to vector<32xf32>
    %broadcast_in_dim3A_217 = vector.shape_cast %reduce_sum3A_216 : vector<32xf32> to vector<32x1xf32>
    %get3A_218 = arith.constant 8 : index
    %get3A_219 = arith.constant 0 : index
    %get3A_220 = arith.constant 0 : index
    %get3A_221 = vector.load %arg19[%get3A_218, %get3A_219, %get3A_220] : memref<10x32x4096xf32, #tpu.memory_space<vmem>>, vector<1x32x4096xf32>
    %get3A_222 = vector.shape_cast %get3A_221 : vector<1x32x4096xf32> to vector<32x4096xf32>
    %mul3A_223 = arith.mulf %add3A_146, %get3A_222 : vector<32x4096xf32>
    %reduce_sum3A_224 = arith.constant dense<0.000000e+00> : vector<32xf32>
    %reduce_sum3A_225 = vector.multi_reduction <add>, %mul3A_223, %reduce_sum3A_224 [1] : vector<32x4096xf32> to vector<32xf32>
    %broadcast_in_dim3A_226 = vector.shape_cast %reduce_sum3A_225 : vector<32xf32> to vector<32x1xf32>
    %get3A_227 = arith.constant 9 : index
    %get3A_228 = arith.constant 0 : index
    %get3A_229 = arith.constant 0 : index
    %get3A_230 = vector.load %arg19[%get3A_227, %get3A_228, %get3A_229] : memref<10x32x4096xf32, #tpu.memory_space<vmem>>, vector<1x32x4096xf32>
    %get3A_231 = vector.shape_cast %get3A_230 : vector<1x32x4096xf32> to vector<32x4096xf32>
    %mul3A_232 = arith.mulf %add3A_146, %get3A_231 : vector<32x4096xf32>
    %reduce_sum3A_233 = arith.constant dense<0.000000e+00> : vector<32xf32>
    %reduce_sum3A_234 = vector.multi_reduction <add>, %mul3A_232, %reduce_sum3A_233 [1] : vector<32x4096xf32> to vector<32xf32>
    %broadcast_in_dim3A_235 = vector.shape_cast %reduce_sum3A_234 : vector<32xf32> to vector<32x1xf32>
    %concatenate3A_236 = tpu.concatenate %broadcast_in_dim3A_154, %broadcast_in_dim3A_163, %broadcast_in_dim3A_172, %broadcast_in_dim3A_181, %broadcast_in_dim3A_190, %broadcast_in_dim3A_199, %broadcast_in_dim3A_208, %broadcast_in_dim3A_217, %broadcast_in_dim3A_226, %broadcast_in_dim3A_235 in 1 : vector<32x1xf32>, vector<32x1xf32>, vector<32x1xf32>, vector<32x1xf32>, vector<32x1xf32>, vector<32x1xf32>, vector<32x1xf32>, vector<32x1xf32>, vector<32x1xf32>, vector<32x1xf32> -> vector<32x10xf32>
    %reduce_sum3A_237 = arith.constant dense<0.000000e+00> : vector<10xf32>
    %reduce_sum3A_238 = vector.multi_reduction <add>, %concatenate3A_236, %reduce_sum3A_237 [0] : vector<32x10xf32> to vector<10xf32>
    %broadcast_in_dim3A_239 = vector.shape_cast %reduce_sum3A_238 : vector<10xf32> to vector<1x10xf32>
    %get3A_240 = arith.constant 0 : index
    %get3A_241 = arith.constant 0 : index
    %get3A_242 = vector.load %arg20[%get3A_240, %get3A_241] : memref<1x10xf32, #tpu.memory_space<vmem>>, vector<1x10xf32>
    %add3A_243 = arith.addf %broadcast_in_dim3A_239, %get3A_242 : vector<1x10xf32>
    %swap3A = arith.constant 0 : index
    %swap3A_244 = arith.constant 0 : index
    %swap3A_245 = arith.constant 0 : index
    %swap3A_246 = vector.load %arg21[%swap3A, %swap3A_244, %swap3A_245] : memref<1x1x10xf32, #tpu.memory_space<vmem>>, vector<1x1x10xf32>
    %swap3A_247 = vector.shape_cast %swap3A_246 : vector<1x1x10xf32> to vector<1x10xf32>
    %swap3A_248 = vector.shape_cast %add3A_243 : vector<1x10xf32> to vector<1x1x10xf32>
    tpu.vector_store %arg21[%swap3A, %swap3A_244, %swap3A_245], %swap3A_248 {strides = array<i32>} : memref<1x1x10xf32, #tpu.memory_space<vmem>>, vector<1x1x10xf32>,
    return
  }
  func.func @transform_0(%arg0: i32) -> (i32, i32) {
    %c0_i32 = arith.constant 0 : i32
    %c0_i32_0 = arith.constant 0 : i32
    return %arg0, %c0_i32 : i32, i32
  }
  func.func @transform_1(%arg0: i32) -> (i32, i32) {
    %c0_i32 = arith.constant 0 : i32
    %c0_i32_0 = arith.constant 0 : i32
    %c0_i32_1 = arith.constant 0 : i32
    return %c0_i32, %c0_i32_0 : i32, i32
  }
  func.func @transform_2(%arg0: i32) -> (i32, i32) {
    %c0_i32 = arith.constant 0 : i32
    %c0_i32_0 = arith.constant 0 : i32
    %c0_i32_1 = arith.constant 0 : i32
    return %c0_i32, %c0_i32_0 : i32, i32
  }
  func.func @transform_3(%arg0: i32) -> (i32, i32) {
    %c0_i32 = arith.constant 0 : i32
    %c0_i32_0 = arith.constant 0 : i32
    %c0_i32_1 = arith.constant 0 : i32
    return %c0_i32, %c0_i32_0 : i32, i32
  }
  func.func @transform_4(%arg0: i32) -> (i32, i32) {
    %c0_i32 = arith.constant 0 : i32
    %c0_i32_0 = arith.constant 0 : i32
    %c0_i32_1 = arith.constant 0 : i32
    return %c0_i32, %c0_i32_0 : i32, i32
  }
  func.func @transform_5(%arg0: i32) -> (i32, i32) {
    %c0_i32 = arith.constant 0 : i32
    %c0_i32_0 = arith.constant 0 : i32
    %c0_i32_1 = arith.constant 0 : i32
    return %c0_i32, %c0_i32_0 : i32, i32
  }
  func.func @transform_6(%arg0: i32) -> (i32, i32) {
    %c0_i32 = arith.constant 0 : i32
    %c0_i32_0 = arith.constant 0 : i32
    %c0_i32_1 = arith.constant 0 : i32
    return %c0_i32, %c0_i32_0 : i32, i32
  }
  func.func @transform_7(%arg0: i32) -> (i32, i32) {
    %c0_i32 = arith.constant 0 : i32
    %c0_i32_0 = arith.constant 0 : i32
    %c0_i32_1 = arith.constant 0 : i32
    return %c0_i32, %c0_i32_0 : i32, i32
  }
  func.func @transform_8(%arg0: i32) -> (i32, i32) {
    %c0_i32 = arith.constant 0 : i32
    %c0_i32_0 = arith.constant 0 : i32
    %c0_i32_1 = arith.constant 0 : i32
    return %c0_i32, %c0_i32_0 : i32, i32
  }
  func.func @transform_9(%arg0: i32) -> (i32, i32) {
    %c0_i32 = arith.constant 0 : i32
    %c0_i32_0 = arith.constant 0 : i32
    %c0_i32_1 = arith.constant 0 : i32
    return %c0_i32, %c0_i32_0 : i32, i32
  }
  func.func @transform_10(%arg0: i32) -> (i32, i32) {
    %c0_i32 = arith.constant 0 : i32
    %c0_i32_0 = arith.constant 0 : i32
    %c0_i32_1 = arith.constant 0 : i32
    return %c0_i32, %c0_i32_0 : i32, i32
  }
  func.func @transform_11(%arg0: i32) -> (i32, i32) {
    %c0_i32 = arith.constant 0 : i32
    %c0_i32_0 = arith.constant 0 : i32
    %c0_i32_1 = arith.constant 0 : i32
    return %c0_i32, %c0_i32_0 : i32, i32
  }
  func.func @transform_12(%arg0: i32) -> (i32, i32) {
    %c0_i32 = arith.constant 0 : i32
    %c0_i32_0 = arith.constant 0 : i32
    %c0_i32_1 = arith.constant 0 : i32
    return %c0_i32, %c0_i32_0 : i32, i32
  }
  func.func @transform_13(%arg0: i32) -> (i32, i32) {
    %c0_i32 = arith.constant 0 : i32
    %c0_i32_0 = arith.constant 0 : i32
    %c0_i32_1 = arith.constant 0 : i32
    return %c0_i32, %c0_i32_0 : i32, i32
  }
  func.func @transform_14(%arg0: i32) -> (i32, i32) {
    %c0_i32 = arith.constant 0 : i32
    %c0_i32_0 = arith.constant 0 : i32
    %c0_i32_1 = arith.constant 0 : i32
    return %c0_i32, %c0_i32_0 : i32, i32
  }
  func.func @transform_15(%arg0: i32) -> (i32, i32) {
    %c0_i32 = arith.constant 0 : i32
    %c0_i32_0 = arith.constant 0 : i32
    %c0_i32_1 = arith.constant 0 : i32
    return %c0_i32, %c0_i32_0 : i32, i32
  }
  func.func @transform_16(%arg0: i32) -> (i32, i32) {
    %c0_i32 = arith.constant 0 : i32
    %c0_i32_0 = arith.constant 0 : i32
    %c0_i32_1 = arith.constant 0 : i32
    return %c0_i32, %c0_i32_0 : i32, i32
  }
  func.func @transform_17(%arg0: i32) -> (i32, i32) {
    %c0_i32 = arith.constant 0 : i32
    %c0_i32_0 = arith.constant 0 : i32
    %c0_i32_1 = arith.constant 0 : i32
    return %c0_i32, %c0_i32_0 : i32, i32
  }
  func.func @transform_18(%arg0: i32) -> (i32, i32, i32) {
    %c0_i32 = arith.constant 0 : i32
    %c0_i32_0 = arith.constant 0 : i32
    %c0_i32_1 = arith.constant 0 : i32
    %c0_i32_2 = arith.constant 0 : i32
    return %c0_i32, %c0_i32_0, %c0_i32_1 : i32, i32, i32
  }
  func.func @transform_19(%arg0: i32) -> (i32, i32) {
    %c0_i32 = arith.constant 0 : i32
    %c0_i32_0 = arith.constant 0 : i32
    %c0_i32_1 = arith.constant 0 : i32
    return %c0_i32, %c0_i32_0 : i32, i32
  }
  func.func @transform_20(%arg0: i32) -> (i32, i32, i32) {
    %c0_i32 = arith.constant 0 : i32
    %c0_i32_0 = arith.constant 0 : i32
    %c0_i32_1 = arith.constant 0 : i32
    return %arg0, %c0_i32, %c0_i32_0 : i32, i32, i32
  }
}

</mosaic_0001>

<sc_bundles>
// kernel: kernel.4.cloned.1.call-start
scs
__scs_entry_jumppad:
0x0: {  	(pc) =	sbr.rel $0x88, $3  }
0x1: {  	(tag) =	ssettag $0x0;
	lr =	simm.s32 $0x1  }
0x2: {  	[smem:$0x3F8C] =	sst lr;
	_ =	strace $0xD0000000  }
0x3: {  	_ = 	snop  }
0x4: {  	_ = 	snop  }
0x5: {  	_ = 	snop  }
0x6: {  	_ = 	snop  }
0x7: {  	_ = 	snop  }
__scs_overlays_trampoline_lowered:
0x8: {  	[smem:$0x3F9B] =	sst s0  }
0x9: {  	[smem:$0x3F9C] =	sst s1  }
0xa: {  	[smem:$0x3F9D] =	sst s2  }
0xb: {  	[smem:$0x3F9E] =	sst s3  }
0xc: {  	[smem:$0x3F9F] =	sst s4  }
0xd: {  	[smem:$0x3FA0] =	sst s5  }
0xe: {  	[smem:$0x3FA1] =	sst s6  }
0xf: {  	[smem:$0x3FA2] =	sst s7  }
0x10: {  	[smem:$0x3FA3] =	sst s8  }
0x11: {  	[smem:$0x3FA4] =	sst s9;
	s0 =	simm.s32 @!p0 $0x0  }
0x12: {  	s1 =	sld [smem:$0x3F8A];
	s0 =	simm.s32 @p0 $0x1  }
0x13: {  	[smem:$0x3FA5] =	sst s0;
	s0 =	simm.s32 @!p1 $0x0  }
0x14: {  	s2 =	sld [smem:$0x3F89];
	s0 =	simm.s32 @p1 $0x1  }
0x15: {  	[smem:$0x3FA6] =	sst s0;
	s0 =	simm.s32 @!p2 $0x0  }
0x16: {  	s3 =	sld [smem:$0x3FDB];
	s0 =	simm.s32 @p2 $0x1  }
0x17: {  	s4 =	simm.s32 $0x1BF5;
	[smem:$0x3FA8] =	sst s0  }
0x18: {  	s0 =	sld [smem:$0x3F8B];
	_ =	swait.ge [sflag:s4], $0x0  }
0x19: {  	s7 =	sld [smem:$0x3F8C]  }
0x1a: {  	s8 =	sadd.s32 $0xFFFFE003, lr  }
0x1b: {  	s9 =	sadd.s32 $0xFFFFFEF7, lr;
	s5 =	simm.s32 $0xFFFFFFFF;
	p2 =	slt.u32 s8, $0xFFFFF086  }
0x1c: {  	p1 =	slt.u32 s9, $0xF7A;
	s5 =	simm.s32 @!p2 $0x0  }
0x1d: {  	s5 =	simm.s32 @p1 $0x1;
	p0 =	seq.s32 s7, s2  }
0x1e: {  	s7 =	smul.u32 @!p0 $0xF7A, s2;
	p2 =	seq.s32 @!p0 s5, $0x0  }
0x1f: {  	s9 =	smul.u32 $0xF7A, s1;
	s8 =	simm.s32 @!p0 $0x1BF5;
	p2 =	por !p2, p0  }
0x20: {  	[sflag:s8] =	ssyncset.s32 @!p0 $0xFFFFF086;
	s6 =	sadd.s32 @!p0 s3, s7;
	s7 =	simm.s32 @!p0 $0x108  }
0x21: {  	s3 =	sadd.s32 s3, s9;
	s6 =	sadd.s32 @!p0 $0x88, s6;
	s7 =	simm.s32 @p2 $0x1082  }
0x22: {  	[simem:s7], [sflag:s8] =	dma.local @!p0 [hbm:s6], $0xF7A  }
0x23: {  	s9 =	sor.u32 $0xD0000000, s2;
	s6 =	simm.s32 $0x108;
	_ =	swait.ge @!p0 [sflag:s8], $0x0  }
0x24: {  	s3 =	sadd.s32 $0x88, s3;
	s6 =	simm.s32 @!p1 $0x1082;
	[sflag:s4] =	ssyncset.s32 $0xFFFFF086  }
0x25: {  	[simem:s6], [sflag:s4] =	dma.local [hbm:s3], $0xF7A  }
0x26: {  	[smem:$0x3F8C] =	sst s1;
	(tag) =	ssettag s2;
	_ =	strace s9  }
0x27: {  	s1 =	sld [smem:$0x3F9C]  }
0x28: {  	s2 =	sld [smem:$0x3F9D]  }
0x29: {  	s4 =	sld [smem:$0x3F9F]  }
0x2a: {  	p0 =	seq.s32 s5, $0x0;
	s5 =	sld [smem:$0x3FA0]  }
0x2b: {  	s6 =	sld [smem:$0x3FA1]  }
0x2c: {  	s7 =	sld [smem:$0x3FA2]  }
0x2d: {  	s3 =	simm.s32 $0x108;
	s8 =	sld [smem:$0x3FA3]  }
0x2e: {  	s3 =	simm.s32 @!p0 $0x1082;
	s9 =	sld [smem:$0x3FA4]  }
0x2f: {  	lr =	sadd.s32 s0, s3;
	s0 =	sld [smem:$0x3F9B]  }
0x30: {  	s3 =	sld [smem:$0x3F9E]  }
0x31: {  	[smem:$0x3FA7] =	sst s10  }
0x32: {  	s10 =	sld [smem:$0x3FA5];
	_ =	sdelay $0x3  }
0x33: {  	p0 =	seq.s32 s10, $0x1;
	s10 =	sld [smem:$0x3FA7];
	_ =	sdelay $0x3  }
0x34: {  	[smem:$0x3FA7] =	sst s10  }
0x35: {  	s10 =	sld [smem:$0x3FA6];
	_ =	sdelay $0x3  }
0x36: {  	p1 =	seq.s32 s10, $0x1;
	s10 =	sld [smem:$0x3FA7];
	_ =	sdelay $0x3  }
0x37: {  	[smem:$0x3FA7] =	sst s10  }
0x38: {  	s10 =	sld [smem:$0x3FA8]  }
0x39: {  	_ = 	snop;
	(pc) =	sbr.ind lr, $3  }
0x3a: {  	_ = 	snop  }
0x3b: {  	_ = 	snop  }
0x3c: {  	p2 =	seq.s32 s10, $0x1;
	s10 =	sld [smem:$0x3FA7]  }
0x3d: {  	_ =	shalt  }
0x3e: {  	_ =	shalt  }
0x3f: {  	_ =	shalt  }
0x40: {  	_ =	shalt  }
0x41: {  	_ =	shalt  }
0x42: {  	_ =	shalt  }
0x43: {  	_ =	shalt  }
0x44: {  	_ =	shalt  }
0x45: {  	_ =	shalt  }
0x46: {  	_ =	shalt  }
0x47: {  	_ =	shalt  }
0x48: {  	_ =	shalt  }
0x49: {  	_ =	shalt  }
0x4a: {  	_ =	shalt  }
0x4b: {  	_ =	shalt  }
0x4c: {  	_ =	shalt  }
0x4d: {  	_ =	shalt  }
0x4e: {  	_ =	shalt  }
0x4f: {  	_ =	shalt  }
0x50: {  	_ =	shalt  }
0x51: {  	_ =	shalt  }
0x52: {  	_ =	shalt  }
0x53: {  	_ =	shalt  }
0x54: {  	_ =	shalt  }
0x55: {  	_ =	shalt  }
0x56: {  	_ =	shalt  }
0x57: {  	_ =	shalt  }
0x58: {  	_ =	shalt  }
0x59: {  	_ =	shalt  }
0x5a: {  	_ =	shalt  }
0x5b: {  	_ =	shalt  }
0x5c: {  	_ =	shalt  }
0x5d: {  	_ =	shalt  }
0x5e: {  	_ =	shalt  }
0x5f: {  	_ =	shalt  }
0x60: {  	_ =	shalt  }
0x61: {  	_ =	shalt  }
0x62: {  	_ =	shalt  }
0x63: {  	_ =	shalt  }
0x64: {  	_ =	shalt  }
0x65: {  	_ =	shalt  }
0x66: {  	_ =	shalt  }
0x67: {  	_ =	shalt  }
0x68: {  	_ =	shalt  }
0x69: {  	_ =	shalt  }
0x6a: {  	_ =	shalt  }
0x6b: {  	_ =	shalt  }
0x6c: {  	_ =	shalt  }
0x6d: {  	_ =	shalt  }
0x6e: {  	_ =	shalt  }
0x6f: {  	_ =	shalt  }
0x70: {  	_ =	shalt  }
0x71: {  	_ =	shalt  }
0x72: {  	_ =	shalt  }
0x73: {  	_ =	shalt  }
0x74: {  	_ =	shalt  }
0x75: {  	_ =	shalt  }
0x76: {  	_ =	shalt  }
0x77: {  	_ =	shalt  }
0x78: {  	_ =	shalt  }
0x79: {  	_ =	shalt  }
0x7a: {  	_ =	shalt  }
0x7b: {  	_ =	shalt  }
0x7c: {  	_ =	shalt  }
0x7d: {  	_ =	shalt  }
0x7e: {  	_ =	shalt  }
0x7f: {  	_ =	shalt  }
0x80: {  	_ =	shalt  }
0x81: {  	_ =	shalt  }
0x82: {  	_ =	shalt  }
0x83: {  	_ =	shalt  }
0x84: {  	_ =	shalt  }
0x85: {  	_ =	shalt  }
0x86: {  	_ =	shalt  }
0x87: {  	_ =	shalt  }
.Lfunc_end0:
.L_simem_size_0:
called_computation_lowered:
.L_overlay_start_0:
0x88: {  	s2 =	sld [smem:$0x3FD9]  }
0x89: {  	s3 =	sld [smem:$0x3FFE];
	_ =	sdelay $0x1  }
0x8a: {  	s1 =	srdreg.scid  }
0x8b: {  	s0 =	sand.u32 $0x1, s1  }
0x8c: {  	s17 =	sshll.u32 s0, $0xA;
	s2 =	sadd.s32 s3, s2  }
0x8d: {  	s2 =	sadd.s32 s2, s17  }
0x8e: {  	[smem:$0x3FB3] =	sst s2  }
0x8f: {  	_ = 	snop  }
0x90: {  	s2 =	sld [smem:$0x3FC9];
	(tm) =	ssettm $0x1  }
0x91: {  	s18 =	sld [smem:$0x3FFB];
	_ =	sdelay $0x3  }
0x92: {  	_ =	strace s18  }
0x93: {  	s3 =	sld [smem:$0x3FFC];
	_ =	sdelay $0x3  }
0x94: {  	_ =	strace s3  }
0x95: {  	s3 =	sld [smem:$0x3FFD];
	_ =	sdelay $0x3  }
0x96: {  	_ =	strace s3  }
0x97: {  	_ =	strace $0x8FFFFFFF  }
0x98: {  	s19 =	sld [smem:$0x3FDB];
	_ =	sdelay $0x1  }
0x99: {  	s4 =	simm.s32 $_scs_section_size  }
0x9a: {  	s5 =	simm.s32 $_size__tile_overlayer_lowered;
	s6 =	simm.s32 $_tile_overlayer_lowered  }
0x9b: {  	s22 =	simm.s32 $0x1BFF;
	s21 =	sshll.u32 s6, $0x1;
	s3 =	sadd.s32 s4, s19  }
0x9c: {  	s7 =	simm.s32 $0x0;
	s20 =	sshll.u32 s5, $0x1;
	s5 =	sadd.s32 s21, s3  }
0x9d: {  	[timem:s7], [sflag:s22] =	dma.local [hbm:s5], s20  }
0x9e: {  	_ =	swait.ge [sflag:s22], s20  }
0x9f: {  	s4 =	ssub.s32 $0x0, s20;
	[sflag:s22] =	ssyncset.done $0x0  }
0xa0: {  	[sflag:s22] =	ssyncadd.s32 s4;
	_ =	sdelay $0x1  }
0xa1: {  	s23 =	simm.s32 $0x1B8B  }
0xa2: {  	_ =	swait.ge [sflag:s23], $0x1  }
0xa3: {  	[sflag:s23] =	ssyncset.done $0x0  }
0xa4: {  	s25 =	simm.s32 $0x1B8E;
	s24 =	sld [smem:$0x3FFE];
	[sflag:s23] =	ssyncadd.s32 $0xFFFFFFFF  }
0xa5: {  	s26 =	simm.s32 $execute0_lowered;
	[smem:$0x3FD2] =	sst s25  }
0xa6: {  	s5 =	sshll.u32 s26, $0x1;
	_ =	strace $0x80000046;
	[dreg:$0x1] =	wrdreg $0xFFFFFFFF  }
0xa7: {  	s28 =	simm.s32 $_size_execute0_lowered;
	s3 =	sadd.s32 s3, s5;
	[dreg:$0x0] =	wrdreg $0x0  }
0xa8: {  	s5 =	sshll.u32 s28, $0x1;
	[dreg:$0x2] =	wrdreg s3  }
0xa9: {  	[dreg:$0x3] =	wrdreg s5  }
0xaa: {  	[dreg:$0x4] =	wrdreg $0xC0  }
0xab: {  	_ =	task [dreg:s7], $0x5FFFF  }
0xac: {  	[dreg:$0x1] =	wrdreg $0xFFFFFFFF  }
0xad: {  	[dreg:$0x0] =	wrdreg $0x60  }
0xae: {  	[dreg:$0x2] =	wrdreg s2  }
0xaf: {  	[dreg:$0x3] =	wrdreg s24  }
0xb0: {  	[dreg:$0x4] =	wrdreg $0x9  }
0xb1: {  	_ =	task.clear_ibuf [dreg:s7], $0x5FFFF;
	_ =	strace $0x90000046  }
0xb2: {  	s29 =	simm.s32 $0x9;
	_ =	strace $0x80000048  }
0xb3: {  	_ =	swait.ge [sflag:s29], $0x1  }
0xb4: {  	[sflag:s29] =	ssyncadd.s32 $0xFFFFFFFF  }
0xb5: {  	_ =	strace $0x90000048  }
0xb6: {  	_ =	sfence  }
0xb7: {  	s30 =	sld [smem:$0x0];
	_ =	sdelay $0x2  }
0xb8: {  	s31 =	sshll.u32 s1, $0xD;
	s1 =	sshrl.u32 s1, $0x2  }
0xb9: {  	s3 =	sand.u32 $0x4000, s31;
	s1 =	sadd.s32 s1, s30  }
0xba: {  	s0 =	sor.u32 s3, s0;
	s1 =	sshll.u32 s1, $0x11  }
0xbb: {  	s0 =	sor.u32 s1, s0  }
0xbc: {  	s0 =	sadd.s32 $0x8F2B, s0  }
0xbd: {  	[sflag:s0] =	ssyncadd.remote.s32 $0x1  }
0xbe: {  	_ =	sfence.sel $0xFFFF  }
0xbf: {  	[dreg:$0x0] =	wrdreg $0xFFFFFFFF;
	(pc) =	sbr.abs _section_cstart, $3  }
0xc0: {  	[dreg:$0x1] =	wrdreg $0xFFFFFFFF  }
0xc1: {  	_ =	task.clear_ibuf [dreg:s7], $0x2FFFF;
	_ =	strace $0x9FFFFFFF  }
0xc2: {  	(tm) =	ssettm $0x7FFFFFFF  }
0xc3: {  	_ =	shalt  }
tec
execute0_lowered:
.L_overlay_start_1:
0x0: {  	(tag) =	ssettag $0x1  }
0x1: {  	s1 =	srdreg.scid  }
0x2: {  	s3 =	rddreg [dreg:$0x0];
	s0 =	stileid.u32  }
0x3: {  	s8 =	rddreg [dreg:$0x1];
	s2 =	simm.s32 $0x0;
	s6 =	sand.u32 $0x1, s1  }
0x4: {  	s4 =	sshll.u32 s0, $0xA;
	s1 =	rddreg [dreg:$0x2];
	s5 =	sshll.u32 s6, $0x9  }
0x5: {  	s7 =	simm.s32 $0x1;
	[smem:$0x7FF] =	sst s2;
	s9 =	sor.u32 s5, s4  }
0x6: {  	_ =	strace $0x80000047;
	s10 =	ssub.s32 $0x2, s6;
	s4 =	sshrl.u32 s9, $0x3  }
0x7: {  	s6 =	simm.s32 $0x200;
	s4 =	sadd.s32 s3, s4;
	s3 =	simm.s32 $0x2  }
0x8: {  	[tilespmem:s2], [sflag:$0x2] =	stream.linear.gather [hbm4b:s4+s2], $0x200, $0x38;
	[tilespmem:$0x8200] =	vst v63  }
0x9: {  	s5 =	sadd.s32 $0x2800, s8;
	s11 =	sshrl.u32 s10, $0x1;
	_ =	swait.ge [sflag:s3], $0x200  }
0xa: {  	s9 =	sshll.u32 s9, $0x3;
	s31 =	ssub.s32 s10, s11;
	[sflag:s3] =	ssyncset.done $0x0  }
0xb: {  	s8 =	sadd.s32 s9, s8;
	s9 =	smax.u32 s31, $0x1;
	[sflag:s3] =	ssyncadd.s32 $0xFFFFFE00  }
0xc: {  	[tilespmem:s6], [sflag:$0x1] =	stream.indirect.gather [hbm4b:s5+s6], $0x40, s2, s6, $0xb8;
	[tilespmem:$0x8200] =	vst v63  }
0xd: {  	p0 =	sne.s32 s9, $0x1;
	_ =	swait.ge [sflag:s7], $0x8000  }
.Ltmp0:
0xe: {  	[sflag:s7] =	ssyncset.done $0x0;
	(pc) =	sbr.rel @!p0 .LBB2_2-.Ltmp0, $4  }
0xf: {  	s8 =	sadd.s32 $0x4800, s8;
	[sflag:s7] =	ssyncadd.s32 $0xFFFF8000  }
0x10: {  	[hbm4b:s8+s2] =	stream.linear.scatter [tilespmem:s6], [sflag:$0x2], $0x8000, $0x38;
	[tilespmem:$0x8200] =	vst v63  }
0x11: {  	_ =	swait.ge [sflag:s3], $0x8000  }
0x12: {  	s9 =	sadd.s32 $0xFFFFFFFF, s9;
	[sflag:s3] =	ssyncset.done $0x0  }
.LBB2_1:
0x13: {  	p0 =	sne.s32 s9, $0x1;
	s9 =	sadd.s32 $0xFFFFFFFF, s9;
	[sflag:s3] =	ssyncadd.s32 $0xFFFF8000  }
0x14: {  	[tilespmem:s2], [sflag:$0x2] =	stream.linear.gather [hbm4b:s4+s2], $0x200, $0x38;
	[tilespmem:$0x8200] =	vst v63  }
0x15: {  	_ =	swait.ge [sflag:s3], $0x200  }
0x16: {  	[sflag:s3] =	ssyncset.done $0x0  }
0x17: {  	[sflag:s3] =	ssyncadd.s32 $0xFFFFFE00  }
0x18: {  	[tilespmem:s6], [sflag:$0x1] =	stream.indirect.gather [hbm4b:s5+s6], $0x40, s2, s6, $0xb8;
	[tilespmem:$0x8200] =	vst v63  }
0x19: {  	_ =	swait.ge [sflag:s7], $0x8000  }
.Ltmp1:
0x1a: {  	[sflag:s7] =	ssyncset.done $0x0;
	(pc) =	sbr.rel @p0 .LBB2_1-.Ltmp1, $4  }
0x1b: {  	[sflag:s7] =	ssyncadd.s32 $0xFFFF8000  }
0x1c: {  	[hbm4b:s8+s2] =	stream.linear.scatter [tilespmem:s6], [sflag:$0x2], $0x8000, $0x38;
	[tilespmem:$0x8200] =	vst v63  }
0x1d: {  	_ =	swait.ge [sflag:s3], $0x8000  }
0x1e: {  	[sflag:s3] =	ssyncset.done $0x0  }
.LBB2_2:
0x1f: {  	[sflag:s3] =	ssyncadd.s32 $0xFFFF8000  }
0x20: {  	_ =	sfence.sel $0x180000  }
0x21: {  	[bflag:$0x0] =	sbarrier.arrive $0xFFFF  }
0x22: {  	p0 =	sne.s32 s0, $0x0;
	_ =	strace $0x90000047  }
0x23: {  	s0 =	sadd.s32 @!p0 $0x100000, s1;
	[bflag:$0x2] =	sbarrier.arrive $0xFFFF  }
0x24: {  	[sflag:s0] =	ssyncadd.tile.s32 @!p0 $0x1;
	_ =	shalt  }
.Lfunc_end2:
_tile_overlayer_lowered:
.L_overlay_start_2:
0x25: {  	(tag) =	ssettag $0x2  }
0x26: {  	s0 =	rddreg [dreg:$0x0];
	s2 =	stileid.u32  }
0x27: {  	s1 =	rddreg [dreg:$0x1];
	p0 =	sne.s32 s2, $0x0  }
0x28: {  	s3 =	rddreg [dreg:$0x2];
	[bflag:$0x3] =	sbarrier.arrive $0xFFFF;
	s2 =	simm.s32 @!p0 $0x1C02  }
0x29: {  	[timem:s3], [sflag:s2] =	dma.local @!p0 [hbm:s0], s1  }
0x2a: {  	s0 =	simm.s32 @!p0 $0x2  }
0x2b: {  	_ =	swait.ge @!p0 [sflag:s0], s1  }
0x2c: {  	s1 =	ssub.s32 @!p0 $0x0, s1;
	[sflag:s0] =	ssyncset.done @!p0 $0x0  }
0x2d: {  	[sflag:s0] =	ssyncadd.s32 @!p0 s1  }
0x2e: {  	[bflag:$0x3] =	sbarrier.arrive $0xFFFF  }
0x2f: {  	_ =	shalt  }

</sc_bundles>
